<compile_context>
chip_gen: v7x
topology: tpu7x:2x2x1
jax: 0.10.2.dev20260603
libtpu: 0.0.44.dev20260713+nightly
codegen_flags: <defaults>
</compile_context>

<pallas_src>
import functools

import jax
import jax.numpy as jnp
import numpy as np
from jax import lax
from jax.experimental import pallas as pl
from jax.experimental.pallas import tpu as pltpu
from jax.experimental.pallas import tpu_sc as plsc

_B = 8
_N = 500000
_H = 128
_W = 128
_NB = 16
_K = 5
_P = _H * _W
_NBP = _NB * _P

_NC = 2
_NS = 16
_L = 16
_NR = 4
_RNG = _NBP // _NR
_CH = 20864
_NCHUNK = 24


_KR = 3912
_NPAD = _KR * 128
_KB = 1304


def _idx_body(ev_ref, out_ref):
    ev = ev_ref[0]
    x = ev[:, 0, :]
    y = ev[:, 1, :]
    t = ev[:, 2, :]
    xi = jnp.floor(jnp.clip(x, 0.0, 127.0))
    yi = jnp.floor(jnp.clip(y, 0.0, 127.0))
    tb = jnp.minimum(jnp.floor(jnp.clip(t, 0.0, 1.0) * 16.0), 15.0)
    idx = (tb * 16384.0 + xi * 128.0 + yi).astype(jnp.int32)
    k = pl.program_id(1) * _KB + lax.broadcasted_iota(jnp.int32, x.shape, 0)
    lane = lax.broadcasted_iota(jnp.int32, x.shape, 1)
    valid = k * 128 + lane < _N
    out_ref[0] = jnp.where(valid, idx, -1)


def _compute_idx(events):
    ev_p = jnp.pad(events, ((0, 0), (0, _NPAD - _N), (0, 0)))
    ev4 = ev_p.transpose(0, 2, 1).reshape(_B, 4, _KR, 128).transpose(0, 2, 1, 3)
    out = pl.pallas_call(
        _idx_body,
        grid=(_B, _KR // _KB),
        in_specs=[pl.BlockSpec((1, _KB, 4, 128), lambda b, j: (b, j, 0, 0))],
        out_specs=pl.BlockSpec((1, _KB, 128), lambda b, j: (b, j, 0)),
        out_shape=jax.ShapeDtypeStruct((_B, _KR, 128), jnp.int32),
    )(ev4)
    return out.reshape(_B * _NPAD)



def _hist_sc_body(idx_hbm, out_hbm, buf0, buf1, hist, sem0, sem1):
    cid = lax.axis_index("c")
    sid = lax.axis_index("s")
    wid = sid * _NC + cid
    b = wid // _NR
    r = wid % _NR
    base = b * _NPAD
    rbase = r * _RNG

    zero16 = jnp.zeros((_L,), jnp.float32)

    @plsc.parallel_loop(0, _RNG // _L, unroll=8)
    def _zero(i):
        hist[pl.ds(i * _L, _L)] = zero16

    ones = jnp.ones((_L,), jnp.float32)

    def start(c, buf, sem):
        off = pl.multiple_of(base + c * _CH, 8)
        pltpu.async_copy(idx_hbm.at[pl.ds(off, _CH)], buf, sem)

    def wait(buf, sem):
        pltpu.make_async_copy(idx_hbm.at[pl.ds(0, _CH)], buf, sem).wait()

    def process(buf):
        @plsc.parallel_loop(0, _CH // _L, unroll=8)
        def _scat(i):
            v = buf[pl.ds(i * _L, _L)]
            local = v - rbase
            mask = lax.bitcast_convert_type(local, jnp.uint32) < jnp.uint32(_RNG)
            plsc.addupdate_scatter(hist, [local], ones, mask=mask)

    start(0, buf0, sem0)
    npair = _NCHUNK // 2

    def pair(p, carry):
        start(2 * p + 1, buf1, sem1)
        wait(buf0, sem0)
        process(buf0)

        @pl.when(p + 1 < npair)
        def _pref():
            start(2 * p + 2, buf0, sem0)

        wait(buf1, sem1)
        process(buf1)
        return carry

    lax.fori_loop(0, npair, pair, 0)

    pltpu.sync_copy(
        hist, out_hbm.at[pl.ds(pl.multiple_of(b * _NBP + rbase, 8), _RNG)])


@functools.lru_cache(maxsize=1)
def _hist_sc():
    mesh = plsc.VectorSubcoreMesh(
        core_axis_name="c", subcore_axis_name="s",
        num_cores=_NC, num_subcores=_NS)
    return pl.kernel(
        _hist_sc_body,
        out_type=jax.ShapeDtypeStruct((_B * _NBP,), jnp.float32),
        mesh=mesh,
        scratch_types=[
            pltpu.VMEM((_CH,), jnp.int32),
            pltpu.VMEM((_CH,), jnp.int32),
            pltpu.VMEM((_RNG,), jnp.float32),
            pltpu.SemaphoreType.DMA,
            pltpu.SemaphoreType.DMA,
        ],
        compiler_params=pltpu.CompilerParams(needs_layout_passes=False),
    )



_SIG = 5.0 / 6.0
_GAUSS = np.exp(-(np.arange(_K, dtype=np.float32) - 2.0) ** 2
                / np.float32(2.0 * _SIG * _SIG)).astype(np.float32)
_GAUSS = (_GAUSS / _GAUSS.sum()).astype(np.float32)
_G0 = float(_GAUSS[2])
_G1 = float(_GAUSS[1])
_G2 = float(_GAUSS[0])


def _post_body(h_ref, pnw_ref, pnb_ref, gnw_ref, gnb_ref, out_ref):
    x = h_ref[0]
    z1 = jnp.zeros((1, _P), jnp.float32)
    z2 = jnp.zeros((2, _P), jnp.float32)
    up1 = jnp.concatenate([x[1:], z1], axis=0)
    up2 = jnp.concatenate([x[2:], z2], axis=0)
    dn1 = jnp.concatenate([z1, x[:-1]], axis=0)
    dn2 = jnp.concatenate([z2, x[:-2]], axis=0)
    sm = _G0 * x + _G1 * (up1 + dn1) + _G2 * (up2 + dn2)
    mu = jnp.mean(sm, axis=1, keepdims=True)
    d = sm - mu
    var = jnp.mean(d * d, axis=1, keepdims=True)
    y = d * lax.rsqrt(var + 1e-5) * pnw_ref[...] + pnb_ref[...]
    mu2 = jnp.mean(y)
    d2 = y - mu2
    var2 = jnp.mean(d2 * d2)
    out_ref[0] = d2 * lax.rsqrt(var2 + 1e-5) * gnw_ref[...] + gnb_ref[...]


def _postprocess(hist, pn_w, pn_b, gn_w, gn_b):
    return pl.pallas_call(
        _post_body,
        grid=(_B,),
        in_specs=[
            pl.BlockSpec((1, _NB, _P), lambda b: (b, 0, 0)),
            pl.BlockSpec((1, _P), lambda b: (0, 0)),
            pl.BlockSpec((1, _P), lambda b: (0, 0)),
            pl.BlockSpec((_NB, _P), lambda b: (0, 0)),
            pl.BlockSpec((_NB, _P), lambda b: (0, 0)),
        ],
        out_specs=pl.BlockSpec((1, _NB, _P), lambda b: (b, 0, 0)),
        out_shape=jax.ShapeDtypeStruct((_B, _NB, _P), jnp.float32),
    )(hist.reshape(_B, _NB, _P), pn_w.reshape(1, _P), pn_b.reshape(1, _P),
      gn_w, gn_b)


def kernel(events, pn_w, pn_b, gn_w, gn_b):
    idx = _compute_idx(events)
    hist = _hist_sc()(idx)
    return _postprocess(hist, pn_w, pn_b, gn_w, gn_b)

# --- scband reference (transcript-rebuilt; emitter-appended) ---
"""Pipeline reference for scband-spike-encoder-46694884442395 (READ-ONLY COPY).

The authoritative reference and input builder live on the scoring server;
editing this copy changes nothing except your own understanding.
"""

import jax, jax.numpy as jnp
import numpy as np

B = 8
N = 500000
H = 128
W = 128
NB = 16
K = 5
P = H * W


def setup_inputs(seed: int = 0) -> dict:
    key = jax.random.key(seed)
    k1, k2, k3, k4 = jax.random.split(key, 4)
    xs = jax.random.uniform(k1, (B, N), dtype=jnp.float32) * H
    ys = jax.random.uniform(k2, (B, N), dtype=jnp.float32) * W
    ts = jax.random.uniform(k3, (B, N), dtype=jnp.float32)
    ps = jax.random.uniform(k4, (B, N), dtype=jnp.float32)
    events = jnp.stack([xs, ys, ts, ps], axis=-1)
    pn_w = jnp.ones((P,), jnp.float32)
    pn_b = jnp.zeros((P,), jnp.float32)
    gn_w = jnp.ones((NB, P), jnp.float32)
    gn_b = jnp.zeros((NB, P), jnp.float32)
    return {"events": events, "pn_w": pn_w, "pn_b": pn_b, "gn_w": gn_w, "gn_b": gn_b}


def reference(events, pn_w, pn_b, gn_w, gn_b):
    bin_edges = jnp.linspace(0.0, 1.0, NB + 1)[1:-1]
    xs = jnp.clip(events[:, :, 0].astype(jnp.int32), 0, H - 1)
    ys = jnp.clip(events[:, :, 1].astype(jnp.int32), 0, W - 1)
    ts = jnp.clip(events[:, :, 2], 0.0, 1.0)
    bin_idx = jnp.searchsorted(bin_edges, ts, side='right').astype(jnp.int32)
    pixel_idx = xs * W + ys
    idx = bin_idx * P + pixel_idx
    batch_off = (jnp.arange(B, dtype=jnp.int32) * (NB * P))[:, None]
    offsets = (idx + batch_off).reshape(-1)
    flat = jnp.zeros((B * NB * P,), jnp.float32).at[offsets].add(1.0)
    spikes = flat.reshape(B, NB, P)
    # depthwise gaussian smoothing along the time-bin axis (fixed kernel)
    pad = K // 2
    coords = jnp.arange(K) - pad
    sigma = K / 6.0
    gauss = jnp.exp(-(coords ** 2) / (2.0 * sigma ** 2))
    gauss = gauss / gauss.sum()
    kernel = jnp.tile(gauss.reshape(1, 1, K).astype(jnp.float32), (P, 1, 1))
    sp = jnp.transpose(spikes, (0, 2, 1))  # (B, P, NB)
    sp = jax.lax.conv_general_dilated(
        sp, kernel, window_strides=(1,), padding=[(pad, pad)],
        dimension_numbers=('NCH', 'OIH', 'NCH'), feature_group_count=P)
    spikes = jnp.transpose(sp, (0, 2, 1))
    # pixel_norm: LayerNorm over last dim (P)
    mu = spikes.mean(axis=-1, keepdims=True)
    var = spikes.var(axis=-1, keepdims=True)
    spikes = (spikes - mu) / jnp.sqrt(var + 1e-5) * pn_w + pn_b
    # global_norm: LayerNorm over last two dims [NB, P]
    mu2 = spikes.mean(axis=(-2, -1), keepdims=True)
    var2 = spikes.var(axis=(-2, -1), keepdims=True)
    spikes = (spikes - mu2) / jnp.sqrt(var2 + 1e-5) * gn_w + gn_b
    return spikes

if __name__ == "__main__":
    import jax
    _d = setup_inputs()
    print(jax.jit(kernel)(*tuple(_d.values())))

</pallas_src>

<mosaic_0001>
#map = affine_map<(d0, d1) -> (0)>
module attributes {stable_mosaic.version = 14 : i64} {
  func.func @_hist_sc_body(%arg0: i32, %arg1: i32, %arg2: memref<4005888xi32, #tpu.memory_space<hbm>>, %arg3: memref<2097152xf32, #tpu.memory_space<hbm>>, %arg4: memref<20864xi32, #tpu.memory_space<vmem>>, %arg5: memref<20864xi32, #tpu.memory_space<vmem>>, %arg6: memref<65536xf32, #tpu.memory_space<vmem>>, %arg7: memref<!tpu.dma_semaphore, #tpu.memory_space<semaphore_mem>>, %arg8: memref<!tpu.dma_semaphore, #tpu.memory_space<semaphore_mem>>) attributes {dimension_semantics = [#tpu.dimension_semantics<core_parallel>, #tpu.dimension_semantics<subcore_parallel>], iteration_bounds = array<i64: 2, 16>, scalar_prefetch = 0 : i64, scratch_operands = 5 : i64, tpu.core_type = #tpu.core_type<sc_vector_subcore>, window_params = [{transform_indices = #map}, {transform_indices = #map}]} {
    %mul3A = arith.constant 2 : i32
    %mul3A_0 = arith.muli %arg1, %mul3A : i32
    %add3A = arith.addi %mul3A_0, %arg0 : i32
    %jit3A = arith.constant 4 : i32
    %div3A = arith.divsi %add3A, %jit3A : i32
    %sign3A = arith.constant 0 : i32
    %sign3A_1 = arith.cmpi sgt, %add3A, %sign3A : i32
    %sign3A_2 = arith.extui %sign3A_1 : i1 to i32
    %sign3A_3 = arith.constant 0 : i32
    %sign3A_4 = arith.cmpi slt, %add3A, %sign3A_3 : i32
    %sign3A_5 = arith.extui %sign3A_4 : i1 to i32
    %sign3A_6 = arith.subi %sign3A_2, %sign3A_5 : i32
    %sign3A_7 = arith.constant 0 : i32
    %sign3A_8 = arith.cmpi sgt, %jit3A, %sign3A_7 : i32
    %sign3A_9 = arith.extui %sign3A_8 : i1 to i32
    %sign3A_10 = arith.constant 0 : i32
    %sign3A_11 = arith.cmpi slt, %jit3A, %sign3A_10 : i32
    %sign3A_12 = arith.extui %sign3A_11 : i1 to i32
    %sign3A_13 = arith.subi %sign3A_9, %sign3A_12 : i32
    %ne3A = arith.cmpi ne, %sign3A_6, %sign3A_13 : i32
    %rem3A = arith.remsi %add3A, %jit3A : i32
    %ne3A_14 = arith.constant 0 : i32
    %ne3A_15 = arith.cmpi ne, %rem3A, %ne3A_14 : i32
    %and3A = arith.andi %ne3A, %ne3A_15 : i1
    %sub3A = arith.constant 1 : i32
    %sub3A_16 = arith.subi %div3A, %sub3A : i32
    %select_n3A = arith.select %and3A, %sub3A_16, %div3A : i32
    %jit3A_17 = arith.constant 4 : i32
    %eq3A = arith.constant 0 : i32
    %eq3A_18 = arith.cmpi eq, %jit3A_17, %eq3A : i32
    %jit3A_19 = arith.constant 1 : i32
    %select_n3A_20 = arith.select %eq3A_18, %jit3A_19, %jit3A_17 : i32
    %rem3A_21 = arith.remsi %add3A, %select_n3A_20 : i32
    %ne3A_22 = arith.constant 0 : i32
    %ne3A_23 = arith.cmpi ne, %rem3A_21, %ne3A_22 : i32
    %lt3A = arith.constant 0 : i32
    %lt3A_24 = arith.cmpi slt, %rem3A_21, %lt3A : i32
    %lt3A_25 = arith.constant 0 : i32
    %lt3A_26 = arith.cmpi slt, %select_n3A_20, %lt3A_25 : i32
    %ne3A_27 = arith.xori %lt3A_24, %lt3A_26 : i1
    %and3A_28 = arith.andi %ne3A_27, %ne3A_23 : i1
    %add3A_29 = arith.addi %rem3A_21, %select_n3A_20 : i32
    %select_n3A_30 = arith.select %and3A_28, %add3A_29, %rem3A_21 : i32
    %mul3A_31 = arith.constant 500736 : i32
    %mul3A_32 = arith.muli %select_n3A, %mul3A_31 : i32
    %mul3A_33 = arith.constant 65536 : i32
    %mul3A_34 = arith.muli %select_n3A_30, %mul3A_33 : i32
    %broadcast_in_dim3A = arith.constant 0.000000e+00 : f32
    %broadcast_in_dim3A_35 = vector.broadcast %broadcast_in_dim3A : f32 to vector<16xf32>
    %parallel_loop3A = arith.constant 0 : i32
    %parallel_loop3A_36 = arith.constant 4096 : i32
    %parallel_loop3A_37 = arith.constant 1 : i32
    scf.for %parallel_loop3A_52 = %parallel_loop3A to %parallel_loop3A_36 step %parallel_loop3A_37  : i32 {
      %parallel_loop3A_53 = arith.constant 16 : i32
      %parallel_loop3A_54 = arith.muli %parallel_loop3A_52, %parallel_loop3A_53 : i32
      %parallel_loop3A_55 = arith.index_cast %parallel_loop3A_54 : i32 to index
      %parallel_loop3A_56 = tpu.vector_load %arg6[%parallel_loop3A_55] {strides = array<i32>} : memref<65536xf32, #tpu.memory_space<vmem>>, vector<16xf32>,
      tpu.vector_store %arg6[%parallel_loop3A_55], %broadcast_in_dim3A_35 {strides = array<i32>} : memref<65536xf32, #tpu.memory_space<vmem>>, vector<16xf32>,
    } {sc.loop_unroll_factor = 8 : i64, sc.parallel_access}
    %broadcast_in_dim3A_38 = arith.constant 1.000000e+00 : f32
    %broadcast_in_dim3A_39 = vector.broadcast %broadcast_in_dim3A_38 : f32 to vector<16xf32>
    %add3A_40 = arith.constant 0 : i32
    %add3A_41 = arith.addi %mul3A_32, %add3A_40 : i32
    %multiple_of3A = tpu.assume_multiple %add3A_41, 8 : i32
    %dma_start3A = tpu.memref_slice %arg2[%multiple_of3A] : memref<4005888xi32, #tpu.memory_space<hbm>> -> memref<20864xi32, #tpu.memory_space<hbm>>
    %dma_start3A_42 = tpu.memref_slice %arg2[%multiple_of3A] : memref<4005888xi32, #tpu.memory_space<hbm>> -> memref<20864xi32, #tpu.memory_space<hbm>>
    tpu.enqueue_dma source(%dma_start3A_42 : memref<20864xi32, #tpu.memory_space<hbm>>) target(%arg4 : memref<20864xi32, #tpu.memory_space<vmem>>) target_semaphore(%arg7 : memref<!tpu.dma_semaphore, #tpu.memory_space<semaphore_mem>>)
    %scan3A = arith.constant 0 : i32
    %scan3A_43 = arith.constant 0 : i32
    %scan3A_44 = arith.constant 12 : i32
    %scan3A_45 = arith.addi %scan3A_43, %scan3A_44 : i32
    %scan3A_46 = arith.constant 1 : i32
    scf.for %scan3A_52 = %scan3A_43 to %scan3A_45 step %scan3A_46  : i32 {
      %mul3A_53 = arith.constant 2 : i32
      %mul3A_54 = arith.muli %mul3A_53, %scan3A_52 : i32
      %add3A_55 = arith.constant 1 : i32
      %add3A_56 = arith.addi %mul3A_54, %add3A_55 : i32
      %mul3A_57 = arith.constant 20864 : i32
      %mul3A_58 = arith.muli %add3A_56, %mul3A_57 : i32
      %add3A_59 = arith.addi %mul3A_32, %mul3A_58 : i32
      %multiple_of3A_60 = tpu.assume_multiple %add3A_59, 8 : i32
      %dma_start3A_61 = tpu.memref_slice %arg2[%multiple_of3A_60] : memref<4005888xi32, #tpu.memory_space<hbm>> -> memref<20864xi32, #tpu.memory_space<hbm>>
      %dma_start3A_62 = tpu.memref_slice %arg2[%multiple_of3A_60] : memref<4005888xi32, #tpu.memory_space<hbm>> -> memref<20864xi32, #tpu.memory_space<hbm>>
      tpu.enqueue_dma source(%dma_start3A_62 : memref<20864xi32, #tpu.memory_space<hbm>>) target(%arg5 : memref<20864xi32, #tpu.memory_space<vmem>>) target_semaphore(%arg8 : memref<!tpu.dma_semaphore, #tpu.memory_space<semaphore_mem>>)
      %dma_wait3A = arith.constant 0 : i32
      %dma_wait3A_63 = tpu.memref_slice %arg2[%dma_wait3A] : memref<4005888xi32, #tpu.memory_space<hbm>> -> memref<20864xi32, #tpu.memory_space<hbm>>
      %dma_wait3A_64 = arith.constant 0 : i32
      %dma_wait3A_65 = tpu.memref_slice %arg2[%dma_wait3A_64] : memref<4005888xi32, #tpu.memory_space<hbm>> -> memref<20864xi32, #tpu.memory_space<hbm>>
      tpu.wait_dma2 semaphore(%arg7 : memref<!tpu.dma_semaphore, #tpu.memory_space<semaphore_mem>>) src(%dma_wait3A_65 : memref<20864xi32, #tpu.memory_space<hbm>>) dst(%arg4 : memref<20864xi32, #tpu.memory_space<vmem>>)
      %parallel_loop3A_66 = arith.constant 0 : i32
      %parallel_loop3A_67 = arith.constant 1304 : i32
      %parallel_loop3A_68 = arith.constant 1 : i32
      scf.for %parallel_loop3A_81 = %parallel_loop3A_66 to %parallel_loop3A_67 step %parallel_loop3A_68  : i32 {
        %parallel_loop3A_82 = arith.constant 16 : i32
        %parallel_loop3A_83 = arith.muli %parallel_loop3A_81, %parallel_loop3A_82 : i32
        %parallel_loop3A_84 = arith.index_cast %parallel_loop3A_83 : i32 to index
        %parallel_loop3A_85 = tpu.vector_load %arg4[%parallel_loop3A_84] {strides = array<i32>} : memref<20864xi32, #tpu.memory_space<vmem>>, vector<16xi32>,
        %parallel_loop3A_86 = vector.broadcast %mul3A_34 : i32 to vector<16xi32>
        %parallel_loop3A_87 = arith.subi %parallel_loop3A_85, %parallel_loop3A_86 : vector<16xi32>
        %parallel_loop3A_88 = tpu.bitcast %parallel_loop3A_87 : vector<16xi32> -> vector<16xi32>
        %parallel_loop3A_89 = arith.constant 65536 : i32
        %parallel_loop3A_90 = vector.broadcast %parallel_loop3A_89 : i32 to vector<16xi32>
        %parallel_loop3A_91 = arith.cmpi ult, %parallel_loop3A_88, %parallel_loop3A_90 : vector<16xi32>
        tpu.vector_store_idx %arg6[%parallel_loop3A_87], %broadcast_in_dim3A_39 masked %parallel_loop3A_91 {add = true} : memref<65536xf32, #tpu.memory_space<vmem>>[vector<16xi32>], vector<16xf32>, vector<16xi1>
      } {sc.loop_unroll_factor = 8 : i64, sc.parallel_access}
      %add3A_69 = arith.constant 1 : i32
      %add3A_70 = arith.addi %scan3A_52, %add3A_69 : i32
      %lt3A_71 = arith.constant 12 : i32
      %lt3A_72 = arith.cmpi slt, %add3A_70, %lt3A_71 : i32
      %convert_element_type3A = arith.extui %lt3A_72 : i1 to i32
      %cond3A = arith.constant 0 : i32
      %cond3A_73 = arith.cmpi ne, %convert_element_type3A, %cond3A : i32
      scf.if %cond3A_73 {
        %mul3A_81 = arith.constant 2 : i32
        %mul3A_82 = arith.muli %mul3A_81, %scan3A_52 : i32
        %add3A_83 = arith.constant 2 : i32
        %add3A_84 = arith.addi %mul3A_82, %add3A_83 : i32
        %mul3A_85 = arith.constant 20864 : i32
        %mul3A_86 = arith.muli %add3A_84, %mul3A_85 : i32
        %add3A_87 = arith.addi %mul3A_32, %mul3A_86 : i32
        %multiple_of3A_88 = tpu.assume_multiple %add3A_87, 8 : i32
        %dma_start3A_89 = tpu.memref_slice %arg2[%multiple_of3A_88] : memref<4005888xi32, #tpu.memory_space<hbm>> -> memref<20864xi32, #tpu.memory_space<hbm>>
        %dma_start3A_90 = tpu.memref_slice %arg2[%multiple_of3A_88] : memref<4005888xi32, #tpu.memory_space<hbm>> -> memref<20864xi32, #tpu.memory_space<hbm>>
        tpu.enqueue_dma source(%dma_start3A_90 : memref<20864xi32, #tpu.memory_space<hbm>>) target(%arg4 : memref<20864xi32, #tpu.memory_space<vmem>>) target_semaphore(%arg7 : memref<!tpu.dma_semaphore, #tpu.memory_space<semaphore_mem>>)
      } else {
      }
      %dma_wait3A_74 = arith.constant 0 : i32
      %dma_wait3A_75 = tpu.memref_slice %arg2[%dma_wait3A_74] : memref<4005888xi32, #tpu.memory_space<hbm>> -> memref<20864xi32, #tpu.memory_space<hbm>>
      %dma_wait3A_76 = arith.constant 0 : i32
      %dma_wait3A_77 = tpu.memref_slice %arg2[%dma_wait3A_76] : memref<4005888xi32, #tpu.memory_space<hbm>> -> memref<20864xi32, #tpu.memory_space<hbm>>
      tpu.wait_dma2 semaphore(%arg8 : memref<!tpu.dma_semaphore, #tpu.memory_space<semaphore_mem>>) src(%dma_wait3A_77 : memref<20864xi32, #tpu.memory_space<hbm>>) dst(%arg5 : memref<20864xi32, #tpu.memory_space<vmem>>)
      %parallel_loop3A_78 = arith.constant 0 : i32
      %parallel_loop3A_79 = arith.constant 1304 : i32
      %parallel_loop3A_80 = arith.constant 1 : i32
      scf.for %parallel_loop3A_81 = %parallel_loop3A_78 to %parallel_loop3A_79 step %parallel_loop3A_80  : i32 {
        %parallel_loop3A_82 = arith.constant 16 : i32
        %parallel_loop3A_83 = arith.muli %parallel_loop3A_81, %parallel_loop3A_82 : i32
        %parallel_loop3A_84 = arith.index_cast %parallel_loop3A_83 : i32 to index
        %parallel_loop3A_85 = tpu.vector_load %arg5[%parallel_loop3A_84] {strides = array<i32>} : memref<20864xi32, #tpu.memory_space<vmem>>, vector<16xi32>,
        %parallel_loop3A_86 = vector.broadcast %mul3A_34 : i32 to vector<16xi32>
        %parallel_loop3A_87 = arith.subi %parallel_loop3A_85, %parallel_loop3A_86 : vector<16xi32>
        %parallel_loop3A_88 = tpu.bitcast %parallel_loop3A_87 : vector<16xi32> -> vector<16xi32>
        %parallel_loop3A_89 = arith.constant 65536 : i32
        %parallel_loop3A_90 = vector.broadcast %parallel_loop3A_89 : i32 to vector<16xi32>
        %parallel_loop3A_91 = arith.cmpi ult, %parallel_loop3A_88, %parallel_loop3A_90 : vector<16xi32>
        tpu.vector_store_idx %arg6[%parallel_loop3A_87], %broadcast_in_dim3A_39 masked %parallel_loop3A_91 {add = true} : memref<65536xf32, #tpu.memory_space<vmem>>[vector<16xi32>], vector<16xf32>, vector<16xi1>
      } {sc.loop_unroll_factor = 8 : i64, sc.parallel_access}
    }
    %scan3A_47 = arith.constant 12 : i32
    %mul3A_48 = arith.constant 262144 : i32
    %mul3A_49 = arith.muli %select_n3A, %mul3A_48 : i32
    %add3A_50 = arith.addi %mul3A_49, %mul3A_34 : i32
    %multiple_of3A_51 = tpu.assume_multiple %add3A_50, 8 : i32
    "tpu.region"() ({
      %run_scoped3A = tpu.sem_alloc : memref<!tpu.dma_semaphore, #tpu.memory_space<semaphore_mem>>
      %dma_start3A_52 = tpu.memref_slice %arg3[%multiple_of3A_51] : memref<2097152xf32, #tpu.memory_space<hbm>> -> memref<65536xf32, #tpu.memory_space<hbm>>
      %dma_start3A_53 = tpu.memref_slice %arg3[%multiple_of3A_51] : memref<2097152xf32, #tpu.memory_space<hbm>> -> memref<65536xf32, #tpu.memory_space<hbm>>
      tpu.enqueue_dma source(%arg6 : memref<65536xf32, #tpu.memory_space<vmem>>) target(%dma_start3A_53 : memref<65536xf32, #tpu.memory_space<hbm>>) target_semaphore(%run_scoped3A : memref<!tpu.dma_semaphore, #tpu.memory_space<semaphore_mem>>)
      %dma_wait3A = tpu.memref_slice %arg3[%multiple_of3A_51] : memref<2097152xf32, #tpu.memory_space<hbm>> -> memref<65536xf32, #tpu.memory_space<hbm>>
      %dma_wait3A_54 = tpu.memref_slice %arg3[%multiple_of3A_51] : memref<2097152xf32, #tpu.memory_space<hbm>> -> memref<65536xf32, #tpu.memory_space<hbm>>
      tpu.wait_dma2 semaphore(%run_scoped3A : memref<!tpu.dma_semaphore, #tpu.memory_space<semaphore_mem>>) src(%arg6 : memref<65536xf32, #tpu.memory_space<vmem>>) dst(%dma_wait3A_54 : memref<65536xf32, #tpu.memory_space<hbm>>)
      tpu.yield
    }) : () -> ()
    return
  }
}

module attributes {stable_mosaic.version = 14 : i64} {
  func.func @_idx_body(%arg0: i32, %arg1: i32, %arg2: memref<1x1304x4x128xf32, #tpu.memory_space<vmem>>, %arg3: memref<1x1304x128xi32, #tpu.memory_space<vmem>>) attributes {dimension_semantics = [#tpu.dimension_semantics<arbitrary>, #tpu.dimension_semantics<arbitrary>], iteration_bounds = array<i64: 8, 3>, scalar_prefetch = 0 : i64, scratch_operands = 0 : i64, tpu.core_type = #tpu.core_type<tc>, window_params = [{transform_indices = @transform_0, window_bounds = array<i64: 1, 1304, 4, 128>}, {transform_indices = @transform_1, window_bounds = array<i64: 1, 1304, 128>}]} {
    %get3A = arith.constant 0 : index
    %get3A_0 = arith.constant 0 : index
    %get3A_1 = arith.constant 0 : index
    %get3A_2 = arith.constant 0 : index
    %get3A_3 = vector.load %arg2[%get3A, %get3A_0, %get3A_1, %get3A_2] : memref<1x1304x4x128xf32, #tpu.memory_space<vmem>>, vector<1x1304x4x128xf32>
    %get3A_4 = vector.shape_cast %get3A_3 : vector<1x1304x4x128xf32> to vector<1304x4x128xf32>
    %slice3A = vector.extract_strided_slice %get3A_4 {offsets = [0, 0, 0], sizes = [1304, 1, 128], strides = [1, 1, 1]} : vector<1304x4x128xf32> to vector<1304x1x128xf32>
    %squeeze3A = vector.shape_cast %slice3A : vector<1304x1x128xf32> to vector<1304x128xf32>
    %slice3A_5 = vector.extract_strided_slice %get3A_4 {offsets = [0, 1, 0], sizes = [1304, 1, 128], strides = [1, 1, 1]} : vector<1304x4x128xf32> to vector<1304x1x128xf32>
    %squeeze3A_6 = vector.shape_cast %slice3A_5 : vector<1304x1x128xf32> to vector<1304x128xf32>
    %slice3A_7 = vector.extract_strided_slice %get3A_4 {offsets = [0, 2, 0], sizes = [1304, 1, 128], strides = [1, 1, 1]} : vector<1304x4x128xf32> to vector<1304x1x128xf32>
    %squeeze3A_8 = vector.shape_cast %slice3A_7 : vector<1304x1x128xf32> to vector<1304x128xf32>
    %jit3A = arith.constant 0.000000e+00 : f32
    %jit3A_9 = arith.constant 1.270000e+02 : f32
    %max3A = vector.broadcast %jit3A : f32 to vector<1304x128xf32>
    %max3A_10 = arith.maximumf %max3A, %squeeze3A : vector<1304x128xf32>
    %min3A = vector.broadcast %jit3A_9 : f32 to vector<1304x128xf32>
    %min3A_11 = arith.minimumf %min3A, %max3A_10 : vector<1304x128xf32>
    %floor3A = math.floor %min3A_11 : vector<1304x128xf32>
    %jit3A_12 = arith.constant 0.000000e+00 : f32
    %jit3A_13 = arith.constant 1.270000e+02 : f32
    %max3A_14 = vector.broadcast %jit3A_12 : f32 to vector<1304x128xf32>
    %max3A_15 = arith.maximumf %max3A_14, %squeeze3A_6 : vector<1304x128xf32>
    %min3A_16 = vector.broadcast %jit3A_13 : f32 to vector<1304x128xf32>
    %min3A_17 = arith.minimumf %min3A_16, %max3A_15 : vector<1304x128xf32>
    %floor3A_18 = math.floor %min3A_17 : vector<1304x128xf32>
    %jit3A_19 = arith.constant 0.000000e+00 : f32
    %jit3A_20 = arith.constant 1.000000e+00 : f32
    %max3A_21 = vector.broadcast %jit3A_19 : f32 to vector<1304x128xf32>
    %max3A_22 = arith.maximumf %max3A_21, %squeeze3A_8 : vector<1304x128xf32>
    %min3A_23 = vector.broadcast %jit3A_20 : f32 to vector<1304x128xf32>
    %min3A_24 = arith.minimumf %min3A_23, %max3A_22 : vector<1304x128xf32>
    %mul3A = arith.constant 1.600000e+01 : f32
    %mul3A_25 = vector.broadcast %mul3A : f32 to vector<1304x128xf32>
    %mul3A_26 = arith.mulf %min3A_24, %mul3A_25 : vector<1304x128xf32>
    %floor3A_27 = math.floor %mul3A_26 : vector<1304x128xf32>
    %min3A_28 = arith.constant 1.500000e+01 : f32
    %min3A_29 = vector.broadcast %min3A_28 : f32 to vector<1304x128xf32>
    %min3A_30 = arith.minimumf %floor3A_27, %min3A_29 : vector<1304x128xf32>
    %mul3A_31 = arith.constant 1.638400e+04 : f32
    %mul3A_32 = vector.broadcast %mul3A_31 : f32 to vector<1304x128xf32>
    %mul3A_33 = arith.mulf %min3A_30, %mul3A_32 : vector<1304x128xf32>
    %mul3A_34 = arith.constant 1.280000e+02 : f32
    %mul3A_35 = vector.broadcast %mul3A_34 : f32 to vector<1304x128xf32>
    %mul3A_36 = arith.mulf %floor3A, %mul3A_35 : vector<1304x128xf32>
    %add3A = arith.addf %mul3A_33, %mul3A_36 : vector<1304x128xf32>
    %add3A_37 = arith.addf %add3A, %floor3A_18 : vector<1304x128xf32>
    %convert_element_type3A = arith.fptosi %add3A_37 : vector<1304x128xf32> to vector<1304x128xi32>
    %mul3A_38 = arith.constant 1304 : i32
    %mul3A_39 = arith.muli %arg1, %mul3A_38 : i32
    %iota3A = tpu.iota {dimensions = array<i32: 0>} : vector<1304x128xi32>
    %add3A_40 = vector.broadcast %mul3A_39 : i32 to vector<1304x128xi32>
    %add3A_41 = arith.addi %add3A_40, %iota3A : vector<1304x128xi32>
    %iota3A_42 = tpu.iota {dimensions = array<i32: 1>} : vector<1304x128xi32>
    %mul3A_43 = arith.constant 128 : i32
    %mul3A_44 = vector.broadcast %mul3A_43 : i32 to vector<1304x128xi32>
    %mul3A_45 = arith.muli %add3A_41, %mul3A_44 : vector<1304x128xi32>
    %add3A_46 = arith.addi %mul3A_45, %iota3A_42 : vector<1304x128xi32>
    %lt3A = arith.constant 500000 : i32
    %lt3A_47 = vector.broadcast %lt3A : i32 to vector<1304x128xi32>
    %lt3A_48 = arith.cmpi slt, %add3A_46, %lt3A_47 : vector<1304x128xi32>
    %jit3A_49 = arith.constant -1 : i32
    %broadcast_in_dim3A = vector.broadcast %jit3A_49 : i32 to vector<1304x128xi32>
    %select_n3A = arith.select %lt3A_48, %convert_element_type3A, %broadcast_in_dim3A : vector<1304x128xi1>, vector<1304x128xi32>
    %swap3A = arith.constant 0 : index
    %swap3A_50 = arith.constant 0 : index
    %swap3A_51 = arith.constant 0 : index
    %swap3A_52 = vector.load %arg3[%swap3A, %swap3A_50, %swap3A_51] : memref<1x1304x128xi32, #tpu.memory_space<vmem>>, vector<1x1304x128xi32>
    %swap3A_53 = vector.shape_cast %swap3A_52 : vector<1x1304x128xi32> to vector<1304x128xi32>
    %swap3A_54 = vector.shape_cast %select_n3A : vector<1304x128xi32> to vector<1x1304x128xi32>
    tpu.vector_store %arg3[%swap3A, %swap3A_50, %swap3A_51], %swap3A_54 {strides = array<i32>} : memref<1x1304x128xi32, #tpu.memory_space<vmem>>, vector<1x1304x128xi32>,
    return
  }
  func.func @transform_0(%arg0: i32, %arg1: i32) -> (i32, i32, i32, i32) {
    %c0_i32 = arith.constant 0 : i32
    %c0_i32_0 = arith.constant 0 : i32
    %c0_i32_1 = arith.constant 0 : i32
    return %arg0, %arg1, %c0_i32, %c0_i32_0 : i32, i32, i32, i32
  }
  func.func @transform_1(%arg0: i32, %arg1: i32) -> (i32, i32, i32) {
    %c0_i32 = arith.constant 0 : i32
    %c0_i32_0 = arith.constant 0 : i32
    return %arg0, %arg1, %c0_i32 : i32, i32, i32
  }
}

module attributes {stable_mosaic.version = 14 : i64} {
  func.func @_post_body(%arg0: i32, %arg1: memref<1x16x16384xf32, #tpu.memory_space<vmem>>, %arg2: memref<1x16384xf32, #tpu.memory_space<vmem>>, %arg3: memref<1x16384xf32, #tpu.memory_space<vmem>>, %arg4: memref<16x16384xf32, #tpu.memory_space<vmem>>, %arg5: memref<16x16384xf32, #tpu.memory_space<vmem>>, %arg6: memref<1x16x16384xf32, #tpu.memory_space<vmem>>) attributes {dimension_semantics = [#tpu.dimension_semantics<arbitrary>], iteration_bounds = array<i64: 8>, scalar_prefetch = 0 : i64, scratch_operands = 0 : i64, tpu.core_type = #tpu.core_type<tc>, window_params = [{transform_indices = @transform_0, window_bounds = array<i64: 1, 16, 16384>}, {pipeline_mode = #tpu.pipeline_mode<synchronous>, transform_indices = @transform_1, window_bounds = array<i64: 1, 16384>}, {pipeline_mode = #tpu.pipeline_mode<synchronous>, transform_indices = @transform_2, window_bounds = array<i64: 1, 16384>}, {pipeline_mode = #tpu.pipeline_mode<synchronous>, transform_indices = @transform_3, window_bounds = array<i64: 16, 16384>}, {pipeline_mode = #tpu.pipeline_mode<synchronous>, transform_indices = @transform_4, window_bounds = array<i64: 16, 16384>}, {transform_indices = @transform_5, window_bounds = array<i64: 1, 16, 16384>}]} {
    %get3A = arith.constant 0 : index
    %get3A_0 = arith.constant 0 : index
    %get3A_1 = arith.constant 0 : index
    %get3A_2 = vector.load %arg1[%get3A, %get3A_0, %get3A_1] : memref<1x16x16384xf32, #tpu.memory_space<vmem>>, vector<1x16x16384xf32>
    %get3A_3 = vector.shape_cast %get3A_2 : vector<1x16x16384xf32> to vector<16x16384xf32>
    %broadcast_in_dim3A = arith.constant 0.000000e+00 : f32
    %broadcast_in_dim3A_4 = vector.broadcast %broadcast_in_dim3A : f32 to vector<1x16384xf32>
    %broadcast_in_dim3A_5 = arith.constant 0.000000e+00 : f32
    %broadcast_in_dim3A_6 = vector.broadcast %broadcast_in_dim3A_5 : f32 to vector<2x16384xf32>
    %slice3A = vector.extract_strided_slice %get3A_3 {offsets = [1, 0], sizes = [15, 16384], strides = [1, 1]} : vector<16x16384xf32> to vector<15x16384xf32>
    %concatenate3A = tpu.concatenate %slice3A, %broadcast_in_dim3A_4 in 0 : vector<15x16384xf32>, vector<1x16384xf32> -> vector<16x16384xf32>
    %slice3A_7 = vector.extract_strided_slice %get3A_3 {offsets = [2, 0], sizes = [14, 16384], strides = [1, 1]} : vector<16x16384xf32> to vector<14x16384xf32>
    %concatenate3A_8 = tpu.concatenate %slice3A_7, %broadcast_in_dim3A_6 in 0 : vector<14x16384xf32>, vector<2x16384xf32> -> vector<16x16384xf32>
    %slice3A_9 = vector.extract_strided_slice %get3A_3 {offsets = [0, 0], sizes = [15, 16384], strides = [1, 1]} : vector<16x16384xf32> to vector<15x16384xf32>
    %concatenate3A_10 = tpu.concatenate %broadcast_in_dim3A_4, %slice3A_9 in 0 : vector<1x16384xf32>, vector<15x16384xf32> -> vector<16x16384xf32>
    %slice3A_11 = vector.extract_strided_slice %get3A_3 {offsets = [0, 0], sizes = [14, 16384], strides = [1, 1]} : vector<16x16384xf32> to vector<14x16384xf32>
    %concatenate3A_12 = tpu.concatenate %broadcast_in_dim3A_6, %slice3A_11 in 0 : vector<2x16384xf32>, vector<14x16384xf32> -> vector<16x16384xf32>
    %mul3A = arith.constant 0.479438335 : f32
    %mul3A_13 = vector.broadcast %mul3A : f32 to vector<16x16384xf32>
    %mul3A_14 = arith.mulf %mul3A_13, %get3A_3 : vector<16x16384xf32>
    %add3A = arith.addf %concatenate3A, %concatenate3A_10 : vector<16x16384xf32>
    %mul3A_15 = arith.constant 0.233367682 : f32
    %mul3A_16 = vector.broadcast %mul3A_15 : f32 to vector<16x16384xf32>
    %mul3A_17 = arith.mulf %mul3A_16, %add3A : vector<16x16384xf32>
    %add3A_18 = arith.addf %mul3A_14, %mul3A_17 : vector<16x16384xf32>
    %add3A_19 = arith.addf %concatenate3A_8, %concatenate3A_12 : vector<16x16384xf32>
    %mul3A_20 = arith.constant 0.0269131567 : f32
    %mul3A_21 = vector.broadcast %mul3A_20 : f32 to vector<16x16384xf32>
    %mul3A_22 = arith.mulf %mul3A_21, %add3A_19 : vector<16x16384xf32>
    %add3A_23 = arith.addf %add3A_18, %mul3A_22 : vector<16x16384xf32>
    %reduce_sum3A = arith.constant dense<0.000000e+00> : vector<16xf32>
    %reduce_sum3A_24 = vector.multi_reduction <add>, %add3A_23, %reduce_sum3A [1] : vector<16x16384xf32> to vector<16xf32>
    %broadcast_in_dim3A_25 = vector.shape_cast %reduce_sum3A_24 : vector<16xf32> to vector<16x1xf32>
    %div3A = arith.constant 1.638400e+04 : f32
    %div3A_26 = vector.broadcast %div3A : f32 to vector<16x1xf32>
    %div3A_27 = arith.divf %broadcast_in_dim3A_25, %div3A_26 : vector<16x1xf32>
    %sub3A = vector.broadcast %div3A_27 : vector<16x1xf32> to vector<16x16384xf32>
    %sub3A_28 = arith.subf %add3A_23, %sub3A : vector<16x16384xf32>
    %mul3A_29 = arith.mulf %sub3A_28, %sub3A_28 : vector<16x16384xf32>
    %reduce_sum3A_30 = arith.constant dense<0.000000e+00> : vector<16xf32>
    %reduce_sum3A_31 = vector.multi_reduction <add>, %mul3A_29, %reduce_sum3A_30 [1] : vector<16x16384xf32> to vector<16xf32>
    %broadcast_in_dim3A_32 = vector.shape_cast %reduce_sum3A_31 : vector<16xf32> to vector<16x1xf32>
    %div3A_33 = arith.constant 1.638400e+04 : f32
    %div3A_34 = vector.broadcast %div3A_33 : f32 to vector<16x1xf32>
    %div3A_35 = arith.divf %broadcast_in_dim3A_32, %div3A_34 : vector<16x1xf32>
    %add3A_36 = arith.constant 9.99999974E-6 : f32
    %add3A_37 = vector.broadcast %add3A_36 : f32 to vector<16x1xf32>
    %add3A_38 = arith.addf %div3A_35, %add3A_37 : vector<16x1xf32>
    %rsqrt3A = math.rsqrt %add3A_38 : vector<16x1xf32>
    %mul3A_39 = vector.broadcast %rsqrt3A : vector<16x1xf32> to vector<16x16384xf32>
    %mul3A_40 = arith.mulf %sub3A_28, %mul3A_39 : vector<16x16384xf32>
    %get3A_41 = arith.constant 0 : index
    %get3A_42 = arith.constant 0 : index
    %get3A_43 = vector.load %arg2[%get3A_41, %get3A_42] : memref<1x16384xf32, #tpu.memory_space<vmem>>, vector<1x16384xf32>
    %mul3A_44 = vector.broadcast %get3A_43 : vector<1x16384xf32> to vector<16x16384xf32>
    %mul3A_45 = arith.mulf %mul3A_40, %mul3A_44 : vector<16x16384xf32>
    %get3A_46 = arith.constant 0 : index
    %get3A_47 = arith.constant 0 : index
    %get3A_48 = vector.load %arg3[%get3A_46, %get3A_47] : memref<1x16384xf32, #tpu.memory_space<vmem>>, vector<1x16384xf32>
    %add3A_49 = vector.broadcast %get3A_48 : vector<1x16384xf32> to vector<16x16384xf32>
    %add3A_50 = arith.addf %mul3A_45, %add3A_49 : vector<16x16384xf32>
    %reduce_sum3A_51 = vector.shape_cast %add3A_50 : vector<16x16384xf32> to vector<1x16x16384xf32>
    %reduce_sum3A_52 = arith.constant dense<0.000000e+00> : vector<1xf32>
    %reduce_sum3A_53 = vector.multi_reduction <add>, %reduce_sum3A_51, %reduce_sum3A_52 [1, 2] : vector<1x16x16384xf32> to vector<1xf32>
    %reduce_sum3A_54 = vector.shape_cast %reduce_sum3A_53 : vector<1xf32> to vector<1x1x1xf32>
    %reduce_sum3A_55 = vector.extract %reduce_sum3A_54[0, 0, 0] : f32 from vector<1x1x1xf32>
    %div3A_56 = arith.constant 2.621440e+05 : f32
    %div3A_57 = arith.divf %reduce_sum3A_55, %div3A_56 : f32
    %sub3A_58 = vector.broadcast %div3A_57 : f32 to vector<16x16384xf32>
    %sub3A_59 = arith.subf %add3A_50, %sub3A_58 : vector<16x16384xf32>
    %mul3A_60 = arith.mulf %sub3A_59, %sub3A_59 : vector<16x16384xf32>
    %reduce_sum3A_61 = vector.shape_cast %mul3A_60 : vector<16x16384xf32> to vector<1x16x16384xf32>
    %reduce_sum3A_62 = arith.constant dense<0.000000e+00> : vector<1xf32>
    %reduce_sum3A_63 = vector.multi_reduction <add>, %reduce_sum3A_61, %reduce_sum3A_62 [1, 2] : vector<1x16x16384xf32> to vector<1xf32>
    %reduce_sum3A_64 = vector.shape_cast %reduce_sum3A_63 : vector<1xf32> to vector<1x1x1xf32>
    %reduce_sum3A_65 = vector.extract %reduce_sum3A_64[0, 0, 0] : f32 from vector<1x1x1xf32>
    %div3A_66 = arith.constant 2.621440e+05 : f32
    %div3A_67 = arith.divf %reduce_sum3A_65, %div3A_66 : f32
    %add3A_68 = arith.constant 9.99999974E-6 : f32
    %add3A_69 = arith.addf %div3A_67, %add3A_68 : f32
    %rsqrt3A_70 = math.rsqrt %add3A_69 : f32
    %mul3A_71 = vector.broadcast %rsqrt3A_70 : f32 to vector<16x16384xf32>
    %mul3A_72 = arith.mulf %sub3A_59, %mul3A_71 : vector<16x16384xf32>
    %get3A_73 = arith.constant 0 : index
    %get3A_74 = arith.constant 0 : index
    %get3A_75 = vector.load %arg4[%get3A_73, %get3A_74] : memref<16x16384xf32, #tpu.memory_space<vmem>>, vector<16x16384xf32>
    %mul3A_76 = arith.mulf %mul3A_72, %get3A_75 : vector<16x16384xf32>
    %get3A_77 = arith.constant 0 : index
    %get3A_78 = arith.constant 0 : index
    %get3A_79 = vector.load %arg5[%get3A_77, %get3A_78] : memref<16x16384xf32, #tpu.memory_space<vmem>>, vector<16x16384xf32>
    %add3A_80 = arith.addf %mul3A_76, %get3A_79 : vector<16x16384xf32>
    %swap3A = arith.constant 0 : index
    %swap3A_81 = arith.constant 0 : index
    %swap3A_82 = arith.constant 0 : index
    %swap3A_83 = vector.load %arg6[%swap3A, %swap3A_81, %swap3A_82] : memref<1x16x16384xf32, #tpu.memory_space<vmem>>, vector<1x16x16384xf32>
    %swap3A_84 = vector.shape_cast %swap3A_83 : vector<1x16x16384xf32> to vector<16x16384xf32>
    %swap3A_85 = vector.shape_cast %add3A_80 : vector<16x16384xf32> to vector<1x16x16384xf32>
    tpu.vector_store %arg6[%swap3A, %swap3A_81, %swap3A_82], %swap3A_85 {strides = array<i32>} : memref<1x16x16384xf32, #tpu.memory_space<vmem>>, vector<1x16x16384xf32>,
    return
  }
  func.func @transform_0(%arg0: i32) -> (i32, i32, i32) {
    %c0_i32 = arith.constant 0 : i32
    %c0_i32_0 = arith.constant 0 : i32
    %c0_i32_1 = arith.constant 0 : i32
    return %arg0, %c0_i32, %c0_i32_0 : i32, i32, i32
  }
  func.func @transform_1(%arg0: i32) -> (i32, i32) {
    %c0_i32 = arith.constant 0 : i32
    %c0_i32_0 = arith.constant 0 : i32
    %c0_i32_1 = arith.constant 0 : i32
    return %c0_i32, %c0_i32_0 : i32, i32
  }
  func.func @transform_2(%arg0: i32) -> (i32, i32) {
    %c0_i32 = arith.constant 0 : i32
    %c0_i32_0 = arith.constant 0 : i32
    %c0_i32_1 = arith.constant 0 : i32
    return %c0_i32, %c0_i32_0 : i32, i32
  }
  func.func @transform_3(%arg0: i32) -> (i32, i32) {
    %c0_i32 = arith.constant 0 : i32
    %c0_i32_0 = arith.constant 0 : i32
    %c0_i32_1 = arith.constant 0 : i32
    return %c0_i32, %c0_i32_0 : i32, i32
  }
  func.func @transform_4(%arg0: i32) -> (i32, i32) {
    %c0_i32 = arith.constant 0 : i32
    %c0_i32_0 = arith.constant 0 : i32
    %c0_i32_1 = arith.constant 0 : i32
    return %c0_i32, %c0_i32_0 : i32, i32
  }
  func.func @transform_5(%arg0: i32) -> (i32, i32, i32) {
    %c0_i32 = arith.constant 0 : i32
    %c0_i32_0 = arith.constant 0 : i32
    %c0_i32_1 = arith.constant 0 : i32
    return %arg0, %c0_i32, %c0_i32_0 : i32, i32, i32
  }
}

</mosaic_0001>

<sc_bundles>
// kernel: kernel.5.cloned.1.call-start
scs
__scs_entry_jumppad:
0x0: {  	(pc) =	sbr.rel $0x88, $3  }
0x1: {  	(tag) =	ssettag $0x0;
	lr =	simm.s32 $0x1  }
0x2: {  	[smem:$0x3F9C] =	sst lr;
	_ =	strace $0xD0000000  }
0x3: {  	_ = 	snop  }
0x4: {  	_ = 	snop  }
0x5: {  	_ = 	snop  }
0x6: {  	_ = 	snop  }
0x7: {  	_ = 	snop  }
__scs_overlays_trampoline_lowered:
0x8: {  	[smem:$0x3FAB] =	sst s0  }
0x9: {  	[smem:$0x3FAC] =	sst s1  }
0xa: {  	[smem:$0x3FAD] =	sst s2  }
0xb: {  	[smem:$0x3FAE] =	sst s3  }
0xc: {  	[smem:$0x3FAF] =	sst s4  }
0xd: {  	[smem:$0x3FB0] =	sst s5  }
0xe: {  	[smem:$0x3FB1] =	sst s6  }
0xf: {  	[smem:$0x3FB2] =	sst s7  }
0x10: {  	[smem:$0x3FB3] =	sst s8  }
0x11: {  	[smem:$0x3FB4] =	sst s9;
	s0 =	simm.s32 @!p0 $0x0  }
0x12: {  	s1 =	sld [smem:$0x3F9A];
	s0 =	simm.s32 @p0 $0x1  }
0x13: {  	[smem:$0x3FB5] =	sst s0;
	s0 =	simm.s32 @!p1 $0x0  }
0x14: {  	s2 =	sld [smem:$0x3F99];
	s0 =	simm.s32 @p1 $0x1  }
0x15: {  	[smem:$0x3FB6] =	sst s0;
	s0 =	simm.s32 @!p2 $0x0  }
0x16: {  	s3 =	sld [smem:$0x3FDB];
	s0 =	simm.s32 @p2 $0x1  }
0x17: {  	s4 =	simm.s32 $0x1BF5;
	[smem:$0x3FB8] =	sst s0  }
0x18: {  	s0 =	sld [smem:$0x3F9B];
	_ =	swait.ge [sflag:s4], $0x0  }
0x19: {  	s7 =	sld [smem:$0x3F9C]  }
0x1a: {  	s8 =	sadd.s32 $0xFFFFE003, lr  }
0x1b: {  	s9 =	sadd.s32 $0xFFFFFEF7, lr;
	s5 =	simm.s32 $0xFFFFFFFF;
	p2 =	slt.u32 s8, $0xFFFFF086  }
0x1c: {  	p1 =	slt.u32 s9, $0xF7A;
	s5 =	simm.s32 @!p2 $0x0  }
0x1d: {  	s5 =	simm.s32 @p1 $0x1;
	p0 =	seq.s32 s7, s2  }
0x1e: {  	s7 =	smul.u32 @!p0 $0xF7A, s2;
	p2 =	seq.s32 @!p0 s5, $0x0  }
0x1f: {  	s9 =	smul.u32 $0xF7A, s1;
	s8 =	simm.s32 @!p0 $0x1BF5;
	p2 =	por !p2, p0  }
0x20: {  	[sflag:s8] =	ssyncset.s32 @!p0 $0xFFFFF086;
	s6 =	sadd.s32 @!p0 s3, s7;
	s7 =	simm.s32 @!p0 $0x108  }
0x21: {  	s3 =	sadd.s32 s3, s9;
	s6 =	sadd.s32 @!p0 $0x88, s6;
	s7 =	simm.s32 @p2 $0x1082  }
0x22: {  	[simem:s7], [sflag:s8] =	dma.local @!p0 [hbm:s6], $0xF7A  }
0x23: {  	s9 =	sor.u32 $0xD0000000, s2;
	s6 =	simm.s32 $0x108;
	_ =	swait.ge @!p0 [sflag:s8], $0x0  }
0x24: {  	s3 =	sadd.s32 $0x88, s3;
	s6 =	simm.s32 @!p1 $0x1082;
	[sflag:s4] =	ssyncset.s32 $0xFFFFF086  }
0x25: {  	[simem:s6], [sflag:s4] =	dma.local [hbm:s3], $0xF7A  }
0x26: {  	[smem:$0x3F9C] =	sst s1;
	(tag) =	ssettag s2;
	_ =	strace s9  }
0x27: {  	s1 =	sld [smem:$0x3FAC]  }
0x28: {  	s2 =	sld [smem:$0x3FAD]  }
0x29: {  	s4 =	sld [smem:$0x3FAF]  }
0x2a: {  	p0 =	seq.s32 s5, $0x0;
	s5 =	sld [smem:$0x3FB0]  }
0x2b: {  	s6 =	sld [smem:$0x3FB1]  }
0x2c: {  	s7 =	sld [smem:$0x3FB2]  }
0x2d: {  	s3 =	simm.s32 $0x108;
	s8 =	sld [smem:$0x3FB3]  }
0x2e: {  	s3 =	simm.s32 @!p0 $0x1082;
	s9 =	sld [smem:$0x3FB4]  }
0x2f: {  	lr =	sadd.s32 s0, s3;
	s0 =	sld [smem:$0x3FAB]  }
0x30: {  	s3 =	sld [smem:$0x3FAE]  }
0x31: {  	[smem:$0x3FB7] =	sst s10  }
0x32: {  	s10 =	sld [smem:$0x3FB5];
	_ =	sdelay $0x3  }
0x33: {  	p0 =	seq.s32 s10, $0x1;
	s10 =	sld [smem:$0x3FB7];
	_ =	sdelay $0x3  }
0x34: {  	[smem:$0x3FB7] =	sst s10  }
0x35: {  	s10 =	sld [smem:$0x3FB6];
	_ =	sdelay $0x3  }
0x36: {  	p1 =	seq.s32 s10, $0x1;
	s10 =	sld [smem:$0x3FB7];
	_ =	sdelay $0x3  }
0x37: {  	[smem:$0x3FB7] =	sst s10  }
0x38: {  	s10 =	sld [smem:$0x3FB8]  }
0x39: {  	_ = 	snop;
	(pc) =	sbr.ind lr, $3  }
0x3a: {  	_ = 	snop  }
0x3b: {  	_ = 	snop  }
0x3c: {  	p2 =	seq.s32 s10, $0x1;
	s10 =	sld [smem:$0x3FB7]  }
0x3d: {  	_ =	shalt  }
0x3e: {  	_ =	shalt  }
0x3f: {  	_ =	shalt  }
0x40: {  	_ =	shalt  }
0x41: {  	_ =	shalt  }
0x42: {  	_ =	shalt  }
0x43: {  	_ =	shalt  }
0x44: {  	_ =	shalt  }
0x45: {  	_ =	shalt  }
0x46: {  	_ =	shalt  }
0x47: {  	_ =	shalt  }
0x48: {  	_ =	shalt  }
0x49: {  	_ =	shalt  }
0x4a: {  	_ =	shalt  }
0x4b: {  	_ =	shalt  }
0x4c: {  	_ =	shalt  }
0x4d: {  	_ =	shalt  }
0x4e: {  	_ =	shalt  }
0x4f: {  	_ =	shalt  }
0x50: {  	_ =	shalt  }
0x51: {  	_ =	shalt  }
0x52: {  	_ =	shalt  }
0x53: {  	_ =	shalt  }
0x54: {  	_ =	shalt  }
0x55: {  	_ =	shalt  }
0x56: {  	_ =	shalt  }
0x57: {  	_ =	shalt  }
0x58: {  	_ =	shalt  }
0x59: {  	_ =	shalt  }
0x5a: {  	_ =	shalt  }
0x5b: {  	_ =	shalt  }
0x5c: {  	_ =	shalt  }
0x5d: {  	_ =	shalt  }
0x5e: {  	_ =	shalt  }
0x5f: {  	_ =	shalt  }
0x60: {  	_ =	shalt  }
0x61: {  	_ =	shalt  }
0x62: {  	_ =	shalt  }
0x63: {  	_ =	shalt  }
0x64: {  	_ =	shalt  }
0x65: {  	_ =	shalt  }
0x66: {  	_ =	shalt  }
0x67: {  	_ =	shalt  }
0x68: {  	_ =	shalt  }
0x69: {  	_ =	shalt  }
0x6a: {  	_ =	shalt  }
0x6b: {  	_ =	shalt  }
0x6c: {  	_ =	shalt  }
0x6d: {  	_ =	shalt  }
0x6e: {  	_ =	shalt  }
0x6f: {  	_ =	shalt  }
0x70: {  	_ =	shalt  }
0x71: {  	_ =	shalt  }
0x72: {  	_ =	shalt  }
0x73: {  	_ =	shalt  }
0x74: {  	_ =	shalt  }
0x75: {  	_ =	shalt  }
0x76: {  	_ =	shalt  }
0x77: {  	_ =	shalt  }
0x78: {  	_ =	shalt  }
0x79: {  	_ =	shalt  }
0x7a: {  	_ =	shalt  }
0x7b: {  	_ =	shalt  }
0x7c: {  	_ =	shalt  }
0x7d: {  	_ =	shalt  }
0x7e: {  	_ =	shalt  }
0x7f: {  	_ =	shalt  }
0x80: {  	_ =	shalt  }
0x81: {  	_ =	shalt  }
0x82: {  	_ =	shalt  }
0x83: {  	_ =	shalt  }
0x84: {  	_ =	shalt  }
0x85: {  	_ =	shalt  }
0x86: {  	_ =	shalt  }
0x87: {  	_ =	shalt  }
.Lfunc_end0:
.L_simem_size_0:
called_computation_lowered:
.L_overlay_start_0:
0x88: {  	s2 =	sld [smem:$0x3FD9]  }
0x89: {  	s3 =	sld [smem:$0x3FFE];
	_ =	sdelay $0x1  }
0x8a: {  	s1 =	srdreg.scid  }
0x8b: {  	s0 =	sand.u32 $0x1, s1  }
0x8c: {  	s17 =	sshll.u32 s0, $0xA;
	s2 =	sadd.s32 s3, s2  }
0x8d: {  	s2 =	sadd.s32 s2, s17  }
0x8e: {  	[smem:$0x3FC3] =	sst s2  }
0x8f: {  	_ = 	snop  }
0x90: {  	s2 =	sld [smem:$0x3FD0];
	(tm) =	ssettm $0x1  }
0x91: {  	s18 =	sld [smem:$0x3FFB];
	_ =	sdelay $0x3  }
0x92: {  	_ =	strace s18  }
0x93: {  	s3 =	sld [smem:$0x3FFC];
	_ =	sdelay $0x3  }
0x94: {  	_ =	strace s3  }
0x95: {  	s3 =	sld [smem:$0x3FFD];
	_ =	sdelay $0x3  }
0x96: {  	_ =	strace s3  }
0x97: {  	_ =	strace $0x8FFFFFFF  }
0x98: {  	s19 =	sld [smem:$0x3FDB];
	_ =	sdelay $0x1  }
0x99: {  	s4 =	simm.s32 $_scs_section_size  }
0x9a: {  	s5 =	simm.s32 $_size__tile_overlayer_lowered;
	s6 =	simm.s32 $_tile_overlayer_lowered  }
0x9b: {  	s22 =	simm.s32 $0x1BFF;
	s21 =	sshll.u32 s6, $0x1;
	s3 =	sadd.s32 s4, s19  }
0x9c: {  	s7 =	simm.s32 $0x0;
	s20 =	sshll.u32 s5, $0x1;
	s5 =	sadd.s32 s21, s3  }
0x9d: {  	[timem:s7], [sflag:s22] =	dma.local [hbm:s5], s20  }
0x9e: {  	_ =	swait.ge [sflag:s22], s20  }
0x9f: {  	s4 =	ssub.s32 $0x0, s20;
	[sflag:s22] =	ssyncset.done $0x0  }
0xa0: {  	[sflag:s22] =	ssyncadd.s32 s4;
	_ =	sdelay $0x1  }
0xa1: {  	s23 =	simm.s32 $0x1B8B  }
0xa2: {  	_ =	swait.ge [sflag:s23], $0x1  }
0xa3: {  	[sflag:s23] =	ssyncset.done $0x0  }
0xa4: {  	s25 =	simm.s32 $0x1B8E;
	s24 =	sld [smem:$0x3FFE];
	[sflag:s23] =	ssyncadd.s32 $0xFFFFFFFF  }
0xa5: {  	s26 =	simm.s32 $execute0_lowered;
	[smem:$0x3FD2] =	sst s25  }
0xa6: {  	s5 =	sshll.u32 s26, $0x1;
	_ =	strace $0x80000046;
	[dreg:$0x1] =	wrdreg $0xFFFFFFFF  }
0xa7: {  	s28 =	simm.s32 $_size_execute0_lowered;
	s3 =	sadd.s32 s3, s5;
	[dreg:$0x0] =	wrdreg $0x0  }
0xa8: {  	s5 =	sshll.u32 s28, $0x1;
	[dreg:$0x2] =	wrdreg s3  }
0xa9: {  	[dreg:$0x3] =	wrdreg s5  }
0xaa: {  	[dreg:$0x4] =	wrdreg $0xC0  }
0xab: {  	_ =	task [dreg:s7], $0x5FFFF  }
0xac: {  	[dreg:$0x1] =	wrdreg $0xFFFFFFFF  }
0xad: {  	[dreg:$0x0] =	wrdreg $0x60  }
0xae: {  	[dreg:$0x2] =	wrdreg s24  }
0xaf: {  	[dreg:$0x3] =	wrdreg s2  }
0xb0: {  	[dreg:$0x4] =	wrdreg $0x9  }
0xb1: {  	_ =	task.clear_ibuf [dreg:s7], $0x5FFFF;
	_ =	strace $0x90000046  }
0xb2: {  	s29 =	simm.s32 $0x9;
	_ =	strace $0x80000048  }
0xb3: {  	_ =	swait.ge [sflag:s29], $0x1  }
0xb4: {  	[sflag:s29] =	ssyncadd.s32 $0xFFFFFFFF  }
0xb5: {  	_ =	strace $0x90000048  }
0xb6: {  	_ =	sfence  }
0xb7: {  	s30 =	sld [smem:$0x0];
	_ =	sdelay $0x2  }
0xb8: {  	s31 =	sshll.u32 s1, $0xD;
	s1 =	sshrl.u32 s1, $0x2  }
0xb9: {  	s3 =	sand.u32 $0x4000, s31;
	s1 =	sadd.s32 s1, s30  }
0xba: {  	s0 =	sor.u32 s3, s0;
	s1 =	sshll.u32 s1, $0x11  }
0xbb: {  	s0 =	sor.u32 s1, s0  }
0xbc: {  	s0 =	sadd.s32 $0x8F2B, s0  }
0xbd: {  	[sflag:s0] =	ssyncadd.remote.s32 $0x1  }
0xbe: {  	_ =	sfence.sel $0xFFFF  }
0xbf: {  	[dreg:$0x0] =	wrdreg $0xFFFFFFFF;
	(pc) =	sbr.abs _section_cstart, $3  }
0xc0: {  	[dreg:$0x1] =	wrdreg $0xFFFFFFFF  }
0xc1: {  	_ =	task.clear_ibuf [dreg:s7], $0x2FFFF;
	_ =	strace $0x9FFFFFFF  }
0xc2: {  	(tm) =	ssettm $0x7FFFFFFF  }
0xc3: {  	_ =	shalt  }
tec
execute0_lowered:
.L_overlay_start_1:
0x0: {  	(tag) =	ssettag $0x1  }
0x1: {  	s3 =	rddreg [dreg:$0x0]  }
0x2: {  	s7 =	rddreg [dreg:$0x1]  }
0x3: {  	s0 =	rddreg [dreg:$0x2];
	s2 =	simm.s32 $0x0  }
0x4: {  	s1 =	stileid.u32;
	s4 =	srdreg.scid;
	s11 =	simm.s32 $0xA300  }
0x5: {  	s13 =	simm.s32 $0x3;
	s14 =	simm.s32 $0x0;
	[smem:$0x7FF] =	sst s2  }
0x6: {  	s3 =	sadd.s32 $0xE00, s3;
	s5 =	sshll.u32 s1, $0x1;
	s4 =	sand.u32 $0x1, s4  }
0x7: {  	s6 =	sshrl.u32 s1, $0x1;
	_ =	strace $0x80000047;
	s5 =	sand.u32 $0x2, s5  }
0x8: {  	s8 =	ssub.s32 $0x2, s4;
	s9 =	smul.u32 $0x7A400, s6;
	s4 =	sor.u32 s4, s5  }
0x9: {  	s30 =	sshll.u32 s6, $0x12;
	s29 =	sshrl.u32 s8, $0x1;
	s12 =	sshll.u32 s4, $0x10  }
0xa: {  	s8 =	ssub.s32 s8, s29;
	s31 =	sshrl.u32 s9, $0x3;
	s5 =	sadd.s32 $0x5180, s9  }
0xb: {  	s6 =	sor.u32 s30, s12;
	s4 =	sadd.s32 s3, s31;
	s8 =	smax.u32 s8, $0x1  }
0xc: {  	v0 =	vmov s12;
	s12 =	simm.s32 $0x2;
	s10 =	sshrl.u32 s6, $0x3;
	s6 =	sadd.s32 $0xA300, s9  }
0xd: {  	v1 =	vimm.f32 $0.0e+00;
	v2 =	vimm.f32 $1.000000000e+00;
	s9 =	simm.s32 $0x5180;
	s7 =	sadd.s32 s7, s10;
	s10 =	simm.s32 $0x1  }
.LBB2_1:
0xe: {  	s15 =	simm.s32 $0xA340  }
0xf: {  	[tilespmem:s15+$0xFFFFFFC0] =	vst v1  }
0x10: {  	[tilespmem:s15+$0x30] =	vst v1  }
0x11: {  	[tilespmem:s15+$0x20] =	vst v1  }
0x12: {  	[tilespmem:s15+$0x10] =	vst v1  }
0x13: {  	[tilespmem:s15+$0x0] =	vst v1  }
0x14: {  	[tilespmem:s15+$0xFFFFFFF0] =	vst v1  }
0x15: {  	s16 =	simm.s32 $0x0;
	[tilespmem:s15+$0xFFFFFFE0] =	vst v1  }
.LBB2_2:
0x16: {  	s16 =	sadd.s32 $0x8, s16;
	[tilespmem:s15+$0xFFFFFFD0] =	vst v1;
	s15 =	sadd.s32 $0x80, s15  }
0x17: {  	[tilespmem:s15+$0xFFFFFFC0] =	vst v1;
	p0 =	slt.u32 s16, $0xFF8  }
0x18: {  	[tilespmem:s15+$0x30] =	vst v1  }
.Ltmp0:
0x19: {  	[tilespmem:s15+$0x20] =	vst v1;
	(pc) =	sbr.rel @p0 .LBB2_2-.Ltmp0, $4  }
0x1a: {  	[tilespmem:s15+$0x10] =	vst v1  }
0x1b: {  	[tilespmem:s15+$0x0] =	vst v1  }
0x1c: {  	[tilespmem:s15+$0xFFFFFFF0] =	vst v1  }
0x1d: {  	[tilespmem:s15+$0xFFFFFFE0] =	vst v1  }
0x1e: {  	[tilespmem:s15+$0xFFFFFFD0] =	vst v1;
	s15 =	simm.s32 $0x0  }
0x1f: {  	[tilespmem:s15], [sflag:$0x1] =	stream.linear.gather [hbm4b:s4+s15], $0x5180, $0x38;
	[tilespmem:$0x1A300] =	vst v63  }
.LBB2_5:
0x20: {  	s16 =	smul.u32 $0xA300, s15;
	_ =	sdelay $0x1  }
0x21: {  	s17 =	sadd.s32 s16, s5  }
0x22: {  	s17 =	sshrl.u32 s17, $0x3  }
0x23: {  	s17 =	sadd.s32 s3, s17  }
0x24: {  	[tilespmem:s9], [sflag:$0x2] =	stream.linear.gather [hbm4b:s17+s2], $0x5180, $0x38;
	[tilespmem:$0x1A300] =	vst v63  }
0x25: {  	_ =	swait.ge [sflag:s10], $0x5180  }
0x26: {  	[sflag:s10] =	ssyncset.done $0x0  }
0x27: {  	s31 =	simm.s32 $0x40;
	[sflag:s10] =	ssyncadd.s32 $0xFFFFAE80  }
0x28: {  	v3 =	vld [tilespmem:s31+$0x30]  }
0x29: {  	v5 =	vld [tilespmem:s31+$0xFFFFFFD0]  }
0x2a: {  	v6 =	vld [tilespmem:s31+$0xFFFFFFE0]  }
0x2b: {  	v10 =	vld [tilespmem:s31+$0xFFFFFFF0]  }
0x2c: {  	v12 =	vld [tilespmem:s31+$0x0]  }
0x2d: {  	v16 =	vld [tilespmem:s31+$0x10]  }
0x2e: {  	v14 =	vld [tilespmem:s31+$0xFFFFFFC0]  }
0x2f: {  	v17 =	vld [tilespmem:s31+$0x20]  }
0x30: {  	v4 =	vsub.s32 v3, v0  }
0x31: {  	v3 =	vand.u32 $0x7F, v3;
	v19 =	vsub.s32 v5, v0;
	v20 =	vsub.s32 v6, v0  }
0x32: {  	v23 =	vand.u32 $0x7F, v5;
	v5 =	vsub.s32 v12, v0;
	v13 =	vand.u32 $0x7F, v6  }
0x33: {  	v9 =	vsub.s32 v16, v0;
	v15 =	vand.u32 $0x7F, v10;
	v24 =	vsub.s32 v14, v0  }
0x34: {  	v11 =	vsub.s32 v17, v0;
	vm1 =	vlt.u32 v4, $0x10000;
	v4 =	vand.u32 $0xFFFFFF80, v4  }
0x35: {  	v6 =	vand.u32 $0x7F, v14;
	v18 =	vand.u32 $0x7F, v12;
	v21 =	vor.u32 v3, v4  }
0x36: {  	v16 =	vand.u32 $0x7F, v16;
	v17 =	vand.u32 $0x7F, v17;
	v22 =	vand.u32 $0xFFFFFF80, v19  }
0x37: {  	v8 =	vand.u32 $0xFFFFFF80, v5;
	v14 =	vand.u32 $0xFFFFFF80, v24;
	vm0 =	vlt.u32 v24, $0x10000  }
0x38: {  	vm2 =	vlt.u32 v19, $0x10000;
	v3 =	vand.u32 $0xFFFFFF80, v20;
	v4 =	vsub.s32 v10, v0  }
0x39: {  	v10 =	vand.u32 $0xFFFFFF80, v9;
	v6 =	vor.u32 v6, v14;
	v14 =	vand.u32 $0xFFFFFF80, v11  }
0x3a: {  	s18 =	simm.s32 $0xC0;
	s17 =	simm.s32 $0x0;
	v12 =	vor.u32 v23, v22;
	v7 =	vand.u32 $0xFFFFFF80, v4;
	[tilespmem:v21+s11+$0x0] =	vst.idx.add.f32.msk vm1, v2;
	vm1 =	vlt.u32 v20, $0x10000  }
.LBB2_6:
0x3b: {  	v19 =	vld [tilespmem:s18+$0x30];
	s17 =	sadd.s32 $0x8, s17;
	v20 =	vor.u32 v13, v3;
	vm6 =	vlt.u32 v4, $0x10000;
	v21 =	vor.u32 v15, v7  }
0x3c: {  	vm5 =	vlt.u32 v5, $0x10000;
	v22 =	vor.u32 v18, v8;
	vm4 =	vlt.u32 v9, $0x10000;
	v7 =	vld [tilespmem:s18+$0xFFFFFFD0];
	p0 =	slt.u32 s17, $0x510  }
0x3d: {  	v23 =	vor.u32 v16, v10;
	vm3 =	vlt.u32 v11, $0x10000;
	v24 =	vor.u32 v17, v14;
	v8 =	vld [tilespmem:s18+$0xFFFFFFE0]  }
0x3e: {  	v10 =	vld [tilespmem:s18+$0xFFFFFFF0]  }
0x3f: {  	v16 =	vld [tilespmem:s18+$0x0]  }
0x40: {  	v17 =	vld [tilespmem:s18+$0x10];
	v3 =	vsub.s32 v19, v0  }
0x41: {  	v4 =	vand.u32 $0x7F, v19;
	v25 =	vld [tilespmem:s18+$0x20];
	vm7 =	vlt.u32 v3, $0x10000;
	v3 =	vand.u32 $0xFFFFFF80, v3  }
0x42: {  	v19 =	vsub.s32 v7, v0;
	v14 =	vld [tilespmem:s18+$0xFFFFFFC0];
	v26 =	vsub.s32 v8, v0;
	v18 =	vor.u32 v4, v3  }
0x43: {  	v27 =	vand.u32 $0xFFFFFF80, v19;
	v3 =	vand.u32 $0xFFFFFF80, v26;
	v4 =	vsub.s32 v10, v0;
	[tilespmem:v6+s11+$0x0] =	vst.idx.add.f32.msk vm0, v2  }
0x44: {  	v28 =	vand.u32 $0x7F, v7;
	v7 =	vand.u32 $0xFFFFFF80, v4;
	v5 =	vsub.s32 v16, v0;
	[tilespmem:v12+s11+$0x0] =	vst.idx.add.f32.msk vm2, v2  }
0x45: {  	v13 =	vand.u32 $0x7F, v8;
	v8 =	vand.u32 $0xFFFFFF80, v5;
	v9 =	vsub.s32 v17, v0;
	[tilespmem:v20+s11+$0x0] =	vst.idx.add.f32.msk vm1, v2  }
.Ltmp1:
0x46: {  	v15 =	vand.u32 $0x7F, v10;
	v10 =	vand.u32 $0xFFFFFF80, v9;
	v11 =	vsub.s32 v25, v0;
	[tilespmem:v21+s11+$0x0] =	vst.idx.add.f32.msk vm6, v2;
	(pc) =	sbr.rel @p0 .LBB2_6-.Ltmp1, $4  }
0x47: {  	v6 =	vsub.s32 v14, v0;
	v12 =	vand.u32 $0x7F, v14;
	v14 =	vand.u32 $0xFFFFFF80, v11;
	[tilespmem:v18+s11+$0x0] =	vst.idx.add.f32.msk vm7, v2  }
0x48: {  	v18 =	vand.u32 $0x7F, v16;
	v16 =	vand.u32 $0x7F, v17;
	v20 =	vand.u32 $0xFFFFFF80, v6;
	[tilespmem:v22+s11+$0x0] =	vst.idx.add.f32.msk vm5, v2  }
0x49: {  	v17 =	vand.u32 $0x7F, v25;
	vm0 =	vlt.u32 v6, $0x10000;
	v6 =	vor.u32 v12, v20;
	[tilespmem:v23+s11+$0x0] =	vst.idx.add.f32.msk vm4, v2  }
0x4a: {  	s18 =	sadd.s32 $0x80, s18;
	vm2 =	vlt.u32 v19, $0x10000;
	vm1 =	vlt.u32 v26, $0x10000;
	v12 =	vor.u32 v28, v27;
	[tilespmem:v24+s11+$0x0] =	vst.idx.add.f32.msk vm3, v2  }
0x4b: {  	_ =	sdelay $0x1  }
0x4c: {  	v3 =	vor.u32 v13, v3;
	vm3 =	vlt.u32 v4, $0x10000  }
0x4d: {  	v4 =	vor.u32 v15, v7;
	vm4 =	vlt.u32 v5, $0x10000  }
0x4e: {  	v5 =	vor.u32 v18, v8;
	vm5 =	vlt.u32 v9, $0x10000  }
0x4f: {  	v7 =	vor.u32 v16, v10;
	vm6 =	vlt.u32 v11, $0x10000;
	[tilespmem:v6+s11+$0x0] =	vst.idx.add.f32.msk vm0, v2  }
0x50: {  	v6 =	vor.u32 v17, v14;
	[tilespmem:v12+s11+$0x0] =	vst.idx.add.f32.msk vm2, v2  }
0x51: {  	[tilespmem:v3+s11+$0x0] =	vst.idx.add.f32.msk vm1, v2  }
0x52: {  	p0 =	seq.s32 s15, $0xB;
	[tilespmem:v4+s11+$0x0] =	vst.idx.add.f32.msk vm3, v2  }
0x53: {  	s16 =	sadd.s32 @!p0 s16, s6;
	[tilespmem:v5+s11+$0x0] =	vst.idx.add.f32.msk vm4, v2  }
0x54: {  	s16 =	sshrl.u32 @!p0 s16, $0x3;
	[tilespmem:v7+s11+$0x0] =	vst.idx.add.f32.msk vm5, v2  }
0x55: {  	s17 =	simm.s32 @!p0 $0x0;
	s16 =	sadd.s32 @!p0 s3, s16;
	[tilespmem:v6+s11+$0x0] =	vst.idx.add.f32.msk vm6, v2  }
0x56: {  	[tilespmem:s17], [sflag:$0x1] =	stream.linear.gather @!p0 [hbm4b:s16+s17], $0x5180, $0x38;
	[tilespmem:$0x1A300] =	vst v63  }
0x57: {  	_ =	swait.ge [sflag:s12], $0x5180  }
0x58: {  	[sflag:s12] =	ssyncset.done $0x0  }
0x59: {  	s31 =	simm.s32 $0x51C0;
	[sflag:s12] =	ssyncadd.s32 $0xFFFFAE80  }
0x5a: {  	v3 =	vld [tilespmem:s31+$0x30]  }
0x5b: {  	v5 =	vld [tilespmem:s31+$0xFFFFFFD0]  }
0x5c: {  	v6 =	vld [tilespmem:s31+$0xFFFFFFE0]  }
0x5d: {  	v10 =	vld [tilespmem:s31+$0xFFFFFFF0]  }
0x5e: {  	v12 =	vld [tilespmem:s31+$0x0]  }
0x5f: {  	v16 =	vld [tilespmem:s31+$0x10]  }
0x60: {  	v14 =	vld [tilespmem:s31+$0xFFFFFFC0]  }
0x61: {  	v17 =	vld [tilespmem:s31+$0x20]  }
0x62: {  	v4 =	vsub.s32 v3, v0  }
0x63: {  	v3 =	vand.u32 $0x7F, v3;
	v19 =	vsub.s32 v5, v0;
	v20 =	vsub.s32 v6, v0  }
0x64: {  	v23 =	vand.u32 $0x7F, v5;
	v5 =	vsub.s32 v12, v0;
	v13 =	vand.u32 $0x7F, v6  }
0x65: {  	v9 =	vsub.s32 v16, v0;
	v15 =	vand.u32 $0x7F, v10;
	v24 =	vsub.s32 v14, v0  }
0x66: {  	v11 =	vsub.s32 v17, v0;
	vm1 =	vlt.u32 v4, $0x10000;
	v4 =	vand.u32 $0xFFFFFF80, v4  }
0x67: {  	v6 =	vand.u32 $0x7F, v14;
	v18 =	vand.u32 $0x7F, v12;
	v21 =	vor.u32 v3, v4  }
0x68: {  	v16 =	vand.u32 $0x7F, v16;
	v17 =	vand.u32 $0x7F, v17;
	v22 =	vand.u32 $0xFFFFFF80, v19  }
0x69: {  	v8 =	vand.u32 $0xFFFFFF80, v5;
	v14 =	vand.u32 $0xFFFFFF80, v24;
	vm0 =	vlt.u32 v24, $0x10000  }
0x6a: {  	vm2 =	vlt.u32 v19, $0x10000;
	v3 =	vand.u32 $0xFFFFFF80, v20;
	v4 =	vsub.s32 v10, v0  }
0x6b: {  	v10 =	vand.u32 $0xFFFFFF80, v9;
	v6 =	vor.u32 v6, v14;
	v14 =	vand.u32 $0xFFFFFF80, v11  }
0x6c: {  	s15 =	sadd.s32 $0x1, s15;
	s16 =	simm.s32 $0x0;
	s17 =	simm.s32 $0x5240;
	v12 =	vor.u32 v23, v22;
	v7 =	vand.u32 $0xFFFFFF80, v4;
	[tilespmem:v21+s11+$0x0] =	vst.idx.add.f32.msk vm1, v2;
	vm1 =	vlt.u32 v20, $0x10000  }
.LBB2_8:
0x6d: {  	v19 =	vld [tilespmem:s17+$0x30];
	s16 =	sadd.s32 $0x8, s16;
	v20 =	vor.u32 v13, v3;
	vm6 =	vlt.u32 v4, $0x10000;
	v21 =	vor.u32 v15, v7  }
0x6e: {  	vm5 =	vlt.u32 v5, $0x10000;
	v22 =	vor.u32 v18, v8;
	vm4 =	vlt.u32 v9, $0x10000;
	v7 =	vld [tilespmem:s17+$0xFFFFFFD0];
	p0 =	slt.u32 s16, $0x510  }
0x6f: {  	v23 =	vor.u32 v16, v10;
	vm3 =	vlt.u32 v11, $0x10000;
	v24 =	vor.u32 v17, v14;
	v8 =	vld [tilespmem:s17+$0xFFFFFFE0]  }
0x70: {  	v10 =	vld [tilespmem:s17+$0xFFFFFFF0]  }
0x71: {  	v16 =	vld [tilespmem:s17+$0x0]  }
0x72: {  	v17 =	vld [tilespmem:s17+$0x10];
	v3 =	vsub.s32 v19, v0  }
0x73: {  	v4 =	vand.u32 $0x7F, v19;
	v25 =	vld [tilespmem:s17+$0x20];
	vm7 =	vlt.u32 v3, $0x10000;
	v3 =	vand.u32 $0xFFFFFF80, v3  }
0x74: {  	v19 =	vsub.s32 v7, v0;
	v14 =	vld [tilespmem:s17+$0xFFFFFFC0];
	v26 =	vsub.s32 v8, v0;
	v18 =	vor.u32 v4, v3  }
0x75: {  	v27 =	vand.u32 $0xFFFFFF80, v19;
	v3 =	vand.u32 $0xFFFFFF80, v26;
	v4 =	vsub.s32 v10, v0;
	[tilespmem:v6+s11+$0x0] =	vst.idx.add.f32.msk vm0, v2  }
0x76: {  	v28 =	vand.u32 $0x7F, v7;
	v7 =	vand.u32 $0xFFFFFF80, v4;
	v5 =	vsub.s32 v16, v0;
	[tilespmem:v12+s11+$0x0] =	vst.idx.add.f32.msk vm2, v2  }
0x77: {  	v13 =	vand.u32 $0x7F, v8;
	v8 =	vand.u32 $0xFFFFFF80, v5;
	v9 =	vsub.s32 v17, v0;
	[tilespmem:v20+s11+$0x0] =	vst.idx.add.f32.msk vm1, v2  }
.Ltmp2:
0x78: {  	v15 =	vand.u32 $0x7F, v10;
	v10 =	vand.u32 $0xFFFFFF80, v9;
	v11 =	vsub.s32 v25, v0;
	[tilespmem:v21+s11+$0x0] =	vst.idx.add.f32.msk vm6, v2;
	(pc) =	sbr.rel @p0 .LBB2_8-.Ltmp2, $4  }
0x79: {  	v6 =	vsub.s32 v14, v0;
	v12 =	vand.u32 $0x7F, v14;
	v14 =	vand.u32 $0xFFFFFF80, v11;
	[tilespmem:v18+s11+$0x0] =	vst.idx.add.f32.msk vm7, v2  }
0x7a: {  	v18 =	vand.u32 $0x7F, v16;
	v16 =	vand.u32 $0x7F, v17;
	v20 =	vand.u32 $0xFFFFFF80, v6;
	[tilespmem:v22+s11+$0x0] =	vst.idx.add.f32.msk vm5, v2  }
0x7b: {  	v17 =	vand.u32 $0x7F, v25;
	vm0 =	vlt.u32 v6, $0x10000;
	v6 =	vor.u32 v12, v20;
	[tilespmem:v23+s11+$0x0] =	vst.idx.add.f32.msk vm4, v2  }
0x7c: {  	s17 =	sadd.s32 $0x80, s17;
	vm2 =	vlt.u32 v19, $0x10000;
	vm1 =	vlt.u32 v26, $0x10000;
	v12 =	vor.u32 v28, v27;
	[tilespmem:v24+s11+$0x0] =	vst.idx.add.f32.msk vm3, v2  }
0x7d: {  	_ =	sdelay $0x1  }
0x7e: {  	v3 =	vor.u32 v13, v3;
	vm3 =	vlt.u32 v4, $0x10000  }
0x7f: {  	v60 =	vor.u32 v15, v7;
	vm4 =	vlt.u32 v5, $0x10000  }
0x80: {  	v61 =	vor.u32 v18, v8;
	vm5 =	vlt.u32 v9, $0x10000  }
0x81: {  	v62 =	vor.u32 v16, v10;
	vm6 =	vlt.u32 v11, $0x10000;
	[tilespmem:v6+s11+$0x0] =	vst.idx.add.f32.msk vm0, v2  }
0x82: {  	v63 =	vor.u32 v17, v14;
	[tilespmem:v12+s11+$0x0] =	vst.idx.add.f32.msk vm2, v2  }
0x83: {  	[tilespmem:v3+s11+$0x0] =	vst.idx.add.f32.msk vm1, v2  }
0x84: {  	[tilespmem:v60+s11+$0x0] =	vst.idx.add.f32.msk vm3, v2  }
0x85: {  	[tilespmem:v61+s11+$0x0] =	vst.idx.add.f32.msk vm4, v2  }
0x86: {  	[tilespmem:v62+s11+$0x0] =	vst.idx.add.f32.msk vm5, v2  }
0x87: {  	[tilespmem:v63+s11+$0x0] =	vst.idx.add.f32.msk vm6, v2  }
0x88: {  	p0 =	seq.s32 s15, $0xC  }
.Ltmp3:
0x89: {  	_ = 	snop;
	(pc) =	sbr.rel @!p0 .LBB2_5-.Ltmp3, $1  }
0x8a: {  	_ =	sdelay $0x3  }
0x8b: {  	s14 =	sadd.s32 $0x1, s14  }
0x8c: {  	p0 =	sne.s32 s14, s8  }
.Ltmp4:
0x8d: {  	_ = 	snop;
	(pc) =	sbr.rel @p0 .LBB2_1-.Ltmp4, $4  }
0x8e: {  	[hbm4b:s7+s2] =	stream.linear.scatter [tilespmem:s11], [sflag:$0x3], $0x10000, $0x38;
	[tilespmem:$0x1A300] =	vst v63  }
0x8f: {  	_ =	swait.ge [sflag:s13], $0x10000  }
0x90: {  	[sflag:s13] =	ssyncset.done $0x0  }
0x91: {  	[sflag:s13] =	ssyncadd.s32 $0xFFFF0000  }
0x92: {  	_ =	sfence.sel $0x180000  }
0x93: {  	[bflag:$0x0] =	sbarrier.arrive $0xFFFF  }
0x94: {  	p0 =	sne.s32 s1, $0x0;
	_ =	strace $0x90000047  }
0x95: {  	s0 =	sadd.s32 @!p0 $0x100000, s0;
	[bflag:$0x2] =	sbarrier.arrive $0xFFFF  }
0x96: {  	[sflag:s0] =	ssyncadd.tile.s32 @!p0 $0x1;
	_ =	shalt  }
.Lfunc_end2:
_tile_overlayer_lowered:
.L_overlay_start_2:
0x97: {  	(tag) =	ssettag $0x2  }
0x98: {  	s0 =	rddreg [dreg:$0x0];
	s2 =	stileid.u32  }
0x99: {  	s1 =	rddreg [dreg:$0x1];
	p0 =	sne.s32 s2, $0x0  }
0x9a: {  	s3 =	rddreg [dreg:$0x2];
	[bflag:$0x3] =	sbarrier.arrive $0xFFFF;
	s2 =	simm.s32 @!p0 $0x1C03  }
0x9b: {  	[timem:s3], [sflag:s2] =	dma.local @!p0 [hbm:s0], s1  }
0x9c: {  	s0 =	simm.s32 @!p0 $0x3  }
0x9d: {  	_ =	swait.ge @!p0 [sflag:s0], s1  }
0x9e: {  	s1 =	ssub.s32 @!p0 $0x0, s1;
	[sflag:s0] =	ssyncset.done @!p0 $0x0  }
0x9f: {  	[sflag:s0] =	ssyncadd.s32 @!p0 s1  }
0xa0: {  	[bflag:$0x3] =	sbarrier.arrive $0xFFFF  }
0xa1: {  	_ =	shalt  }

</sc_bundles>
